<compile_context>
chip_gen: v7x
topology: tpu7x:2x2x1
jax: 0.10.2.dev20260603
libtpu: 0.0.44.dev20260713+nightly
codegen_flags: <defaults>
</compile_context>

<pallas_src>
import jax
import jax.numpy as jnp
from jax.experimental import pallas as pl
from jax.experimental.pallas import tpu as pltpu

_N_DOCS = 100000
_K = 16
_QT = 256
_CT = 2048
_N_PAD = 100352


def _topk_body(q_ref, w_ref, k_ref, ids_out, vals_out, proj_ref, topv_ref, topi_ref):
    ci = pl.program_id(1)
    nc = pl.num_programs(1)

    @pl.when(ci == 0)
    def _init():
        proj_ref[...] = jnp.dot(q_ref[...], w_ref[...].T,
                                preferred_element_type=jnp.float32)
        topv_ref[...] = jnp.full((_QT, _K), -jnp.inf, jnp.float32)
        topi_ref[...] = jnp.zeros((_QT, _K), jnp.int32)

    scores = jax.lax.dot_general(
        proj_ref[...], k_ref[...],
        (((1,), (1,)), ((), ())),
        preferred_element_type=jnp.float32)

    col = jax.lax.broadcasted_iota(jnp.int32, (_QT, _CT), 1) + ci * _CT
    scores = jnp.where(col < _N_DOCS, scores, -jnp.inf)

    arr = jnp.concatenate([topv_ref[...], scores], axis=1)
    idxarr = jnp.concatenate([topi_ref[...], col], axis=1)
    width = _K + _CT
    iota = jax.lax.broadcasted_iota(jnp.int32, (_QT, width), 1)

    newv = []
    newi = []
    for _ in range(_K):
        m = jnp.max(arr, axis=1, keepdims=True)
        cand = jnp.where(arr == m, iota, jnp.int32(2**30))
        arg = jnp.min(cand, axis=1, keepdims=True)
        doc = jnp.min(jnp.where(iota == arg, idxarr, jnp.int32(2**30)),
                      axis=1, keepdims=True)
        newv.append(m)
        newi.append(doc)
        arr = jnp.where(iota == arg, -jnp.inf, arr)

    topv_ref[...] = jnp.concatenate(newv, axis=1)
    topi_ref[...] = jnp.concatenate(newi, axis=1)

    @pl.when(ci == nc - 1)
    def _emit():
        vals_out[...] = topv_ref[...]
        ids_out[...] = topi_ref[...]


def kernel(queries, W, corpus_keys, corpus_doc_ids):
    nq = queries.shape[0]
    keys_pad = jnp.pad(corpus_keys, ((0, _N_PAD - _N_DOCS), (0, 0)))

    grid = (nq // _QT, _N_PAD // _CT)
    ids, vals = pl.pallas_call(
        _topk_body,
        grid=grid,
        in_specs=[
            pl.BlockSpec((_QT, 128), lambda i, j: (i, 0)),
            pl.BlockSpec((128, 128), lambda i, j: (0, 0)),
            pl.BlockSpec((_CT, 128), lambda i, j: (j, 0)),
        ],
        out_specs=[
            pl.BlockSpec((_QT, _K), lambda i, j: (i, 0)),
            pl.BlockSpec((_QT, _K), lambda i, j: (i, 0)),
        ],
        out_shape=[
            jax.ShapeDtypeStruct((nq, _K), jnp.int32),
            jax.ShapeDtypeStruct((nq, _K), jnp.float32),
        ],
        scratch_shapes=[
            pltpu.VMEM((_QT, 128), jnp.float32),
            pltpu.VMEM((_QT, _K), jnp.float32),
            pltpu.VMEM((_QT, _K), jnp.int32),
        ],
        compiler_params=pltpu.CompilerParams(
            dimension_semantics=("arbitrary", "arbitrary")),
    )(queries.astype(jnp.float32), W, keys_pad)

    top_doc_ids = jnp.take(corpus_doc_ids, ids, axis=0)
    return top_doc_ids, vals

# --- scband reference (transcript-rebuilt; emitter-appended) ---
"""Pipeline reference for scband-learned-key-query-retriever-12111807775121 (READ-ONLY COPY).

The authoritative reference and input builder live on the scoring server;
editing this copy changes nothing except your own understanding.
"""

import jax, jax.numpy as jnp
import numpy as np

NUM_DOCS = 100000
KEY_DIM = 128
QUERY_DIM = 128
TOP_K = 16


def setup_inputs(seed: int = 0) -> dict:
    key = jax.random.key(seed)
    k1, k2, k3 = jax.random.split(key, 3)
    queries = jax.random.normal(k1, (4096, QUERY_DIM), dtype=jnp.float32)
    # nn.Linear(query_dim, key_dim, bias=False) weight has shape [key_dim, query_dim]
    W = jax.random.normal(k2, (KEY_DIM, QUERY_DIM), dtype=jnp.float32) / np.sqrt(QUERY_DIM)
    corpus_keys = jax.random.normal(k3, (NUM_DOCS, KEY_DIM), dtype=jnp.float32)
    corpus_doc_ids = jnp.arange(NUM_DOCS, dtype=jnp.int32)
    return {"queries": queries, "W": W, "corpus_keys": corpus_keys, "corpus_doc_ids": corpus_doc_ids}


def reference(queries, W, corpus_keys, corpus_doc_ids):
    # query_proj (Linear, no bias): projected = queries @ W.T
    projected = queries.astype(jnp.float32) @ W.T
    # dot-product scores against the whole corpus
    scores = projected @ corpus_keys.T
    # top-k search over the corpus, then map row indices -> doc ids
    top_scores, top_idx = jax.lax.top_k(scores, TOP_K)
    top_doc_ids = jnp.take(corpus_doc_ids, top_idx, axis=0)
    return top_doc_ids, top_scores

if __name__ == "__main__":
    import jax
    _d = setup_inputs()
    print(jax.jit(kernel)(*tuple(_d.values())))

</pallas_src>

<mosaic_0001>
module attributes {stable_mosaic.version = 14 : i64} {
  func.func @_topk_body(%arg0: i32, %arg1: i32, %arg2: memref<256x128xf32, #tpu.memory_space<vmem>>, %arg3: memref<128x128xf32, #tpu.memory_space<vmem>>, %arg4: memref<2048x128xf32, #tpu.memory_space<vmem>>, %arg5: memref<256x16xi32, #tpu.memory_space<vmem>>, %arg6: memref<256x16xf32, #tpu.memory_space<vmem>>, %arg7: memref<256x128xf32, #tpu.memory_space<vmem>>, %arg8: memref<256x16xf32, #tpu.memory_space<vmem>>, %arg9: memref<256x16xi32, #tpu.memory_space<vmem>>) attributes {dimension_semantics = [#tpu.dimension_semantics<arbitrary>, #tpu.dimension_semantics<arbitrary>], iteration_bounds = array<i64: 16, 49>, scalar_prefetch = 0 : i64, scratch_operands = 3 : i64, tpu.core_type = #tpu.core_type<tc>, window_params = [{transform_indices = @transform_0, window_bounds = array<i64: 256, 128>}, {pipeline_mode = #tpu.pipeline_mode<synchronous>, transform_indices = @transform_1, window_bounds = array<i64: 128, 128>}, {transform_indices = @transform_2, window_bounds = array<i64: 2048, 128>}, {transform_indices = @transform_3, window_bounds = array<i64: 256, 16>}, {transform_indices = @transform_4, window_bounds = array<i64: 256, 16>}]} {
    %eq3A = arith.constant 0 : i32
    %eq3A_0 = arith.cmpi eq, %arg1, %eq3A : i32
    %convert_element_type3A = arith.extui %eq3A_0 : i1 to i32
    %cond3A = arith.constant 0 : i32
    %cond3A_1 = arith.cmpi ne, %convert_element_type3A, %cond3A : i32
    scf.if %cond3A_1 {
      %get3A_409 = arith.constant 0 : index
      %get3A_410 = arith.constant 0 : index
      %get3A_411 = vector.load %arg2[%get3A_409, %get3A_410] : memref<256x128xf32, #tpu.memory_space<vmem>>, vector<256x128xf32>
      %get3A_412 = arith.constant 0 : index
      %get3A_413 = arith.constant 0 : index
      %get3A_414 = vector.load %arg3[%get3A_412, %get3A_413] : memref<128x128xf32, #tpu.memory_space<vmem>>, vector<128x128xf32>
      %transpose3A = tpu.transpose %get3A_414, [1, 0] : vector<128x128xf32> -> vector<128x128xf32>
      %dot_general3A_415 = arith.constant dense<0.000000e+00> : vector<256x128xf32>
      %dot_general3A_416 = tpu.matmul %get3A_411, %transpose3A, %dot_general3A_415 {dimension_numbers = #tpu.dot_dimension_numbers<[1], [0], [0], [1], [0, 0, 1, 1], [], []>, transpose_lhs_hint = false} : vector<256x128xf32>, vector<128x128xf32>, vector<256x128xf32> -> vector<256x128xf32>
      %swap3A_417 = arith.constant 0 : index
      %swap3A_418 = arith.constant 0 : index
      %swap3A_419 = vector.load %arg7[%swap3A_417, %swap3A_418] : memref<256x128xf32, #tpu.memory_space<vmem>>, vector<256x128xf32>
      tpu.vector_store %arg7[%swap3A_417, %swap3A_418], %dot_general3A_416 {strides = array<i32>} : memref<256x128xf32, #tpu.memory_space<vmem>>, vector<256x128xf32>,
      %broadcast_in_dim3A_420 = arith.constant 0xFF800000 : f32
      %broadcast_in_dim3A_421 = vector.broadcast %broadcast_in_dim3A_420 : f32 to vector<256x16xf32>
      %swap3A_422 = arith.constant 0 : index
      %swap3A_423 = arith.constant 0 : index
      %swap3A_424 = vector.load %arg8[%swap3A_422, %swap3A_423] : memref<256x16xf32, #tpu.memory_space<vmem>>, vector<256x16xf32>
      tpu.vector_store %arg8[%swap3A_422, %swap3A_423], %broadcast_in_dim3A_421 {strides = array<i32>} : memref<256x16xf32, #tpu.memory_space<vmem>>, vector<256x16xf32>,
      %broadcast_in_dim3A_425 = arith.constant 0 : i32
      %broadcast_in_dim3A_426 = vector.broadcast %broadcast_in_dim3A_425 : i32 to vector<256x16xi32>
      %swap3A_427 = arith.constant 0 : index
      %swap3A_428 = arith.constant 0 : index
      %swap3A_429 = vector.load %arg9[%swap3A_427, %swap3A_428] : memref<256x16xi32, #tpu.memory_space<vmem>>, vector<256x16xi32>
      tpu.vector_store %arg9[%swap3A_427, %swap3A_428], %broadcast_in_dim3A_426 {strides = array<i32>} : memref<256x16xi32, #tpu.memory_space<vmem>>, vector<256x16xi32>,
    } else {
    }
    %get3A = arith.constant 0 : index
    %get3A_2 = arith.constant 0 : index
    %get3A_3 = vector.load %arg7[%get3A, %get3A_2] : memref<256x128xf32, #tpu.memory_space<vmem>>, vector<256x128xf32>
    %get3A_4 = arith.constant 0 : index
    %get3A_5 = arith.constant 0 : index
    %get3A_6 = vector.load %arg4[%get3A_4, %get3A_5] : memref<2048x128xf32, #tpu.memory_space<vmem>>, vector<2048x128xf32>
    %dot_general3A = arith.constant dense<0.000000e+00> : vector<256x2048xf32>
    %dot_general3A_7 = tpu.matmul %get3A_3, %get3A_6, %dot_general3A {dimension_numbers = #tpu.dot_dimension_numbers<[1], [1], [0], [0], [0, 0, 1, 0], [], []>, transpose_lhs_hint = false} : vector<256x128xf32>, vector<2048x128xf32>, vector<256x2048xf32> -> vector<256x2048xf32>
    %iota3A = tpu.iota {dimensions = array<i32: 1>} : vector<256x2048xi32>
    %mul3A = arith.constant 2048 : i32
    %mul3A_8 = arith.muli %arg1, %mul3A : i32
    %add3A = vector.broadcast %mul3A_8 : i32 to vector<256x2048xi32>
    %add3A_9 = arith.addi %iota3A, %add3A : vector<256x2048xi32>
    %lt3A = arith.constant 100000 : i32
    %lt3A_10 = vector.broadcast %lt3A : i32 to vector<256x2048xi32>
    %lt3A_11 = arith.cmpi slt, %add3A_9, %lt3A_10 : vector<256x2048xi32>
    %jit3A = arith.constant 0xFF800000 : f32
    %broadcast_in_dim3A = vector.broadcast %jit3A : f32 to vector<256x2048xf32>
    %select_n3A = arith.select %lt3A_11, %dot_general3A_7, %broadcast_in_dim3A : vector<256x2048xi1>, vector<256x2048xf32>
    %get3A_12 = arith.constant 0 : index
    %get3A_13 = arith.constant 0 : index
    %get3A_14 = vector.load %arg8[%get3A_12, %get3A_13] : memref<256x16xf32, #tpu.memory_space<vmem>>, vector<256x16xf32>
    %concatenate3A = tpu.concatenate %get3A_14, %select_n3A in 1 : vector<256x16xf32>, vector<256x2048xf32> -> vector<256x2064xf32>
    %get3A_15 = arith.constant 0 : index
    %get3A_16 = arith.constant 0 : index
    %get3A_17 = vector.load %arg9[%get3A_15, %get3A_16] : memref<256x16xi32, #tpu.memory_space<vmem>>, vector<256x16xi32>
    %concatenate3A_18 = tpu.concatenate %get3A_17, %add3A_9 in 1 : vector<256x16xi32>, vector<256x2048xi32> -> vector<256x2064xi32>
    %iota3A_19 = tpu.iota {dimensions = array<i32: 1>} : vector<256x2064xi32>
    %reduce_max3A = arith.constant dense<0xFF800000> : vector<256xf32>
    %reduce_max3A_20 = vector.multi_reduction <maximumf>, %concatenate3A, %reduce_max3A [1] : vector<256x2064xf32> to vector<256xf32>
    %broadcast_in_dim3A_21 = vector.shape_cast %reduce_max3A_20 : vector<256xf32> to vector<256x1xf32>
    %eq3A_22 = vector.broadcast %broadcast_in_dim3A_21 : vector<256x1xf32> to vector<256x2064xf32>
    %eq3A_23 = arith.cmpf oeq, %concatenate3A, %eq3A_22 : vector<256x2064xf32>
    %jit3A_24 = arith.constant 1073741824 : i32
    %broadcast_in_dim3A_25 = vector.broadcast %jit3A_24 : i32 to vector<256x2064xi32>
    %select_n3A_26 = arith.select %eq3A_23, %iota3A_19, %broadcast_in_dim3A_25 : vector<256x2064xi1>, vector<256x2064xi32>
    %reduce_min3A = arith.constant dense<2147483647> : vector<256xi32>
    %reduce_min3A_27 = vector.multi_reduction <minsi>, %select_n3A_26, %reduce_min3A [1] : vector<256x2064xi32> to vector<256xi32>
    %broadcast_in_dim3A_28 = vector.shape_cast %reduce_min3A_27 : vector<256xi32> to vector<256x1xi32>
    %eq3A_29 = vector.broadcast %broadcast_in_dim3A_28 : vector<256x1xi32> to vector<256x2064xi32>
    %eq3A_30 = arith.cmpi eq, %iota3A_19, %eq3A_29 : vector<256x2064xi32>
    %jit3A_31 = arith.constant 1073741824 : i32
    %broadcast_in_dim3A_32 = vector.broadcast %jit3A_31 : i32 to vector<256x2064xi32>
    %select_n3A_33 = arith.select %eq3A_30, %concatenate3A_18, %broadcast_in_dim3A_32 : vector<256x2064xi1>, vector<256x2064xi32>
    %reduce_min3A_34 = arith.constant dense<2147483647> : vector<256xi32>
    %reduce_min3A_35 = vector.multi_reduction <minsi>, %select_n3A_33, %reduce_min3A_34 [1] : vector<256x2064xi32> to vector<256xi32>
    %broadcast_in_dim3A_36 = vector.shape_cast %reduce_min3A_35 : vector<256xi32> to vector<256x1xi32>
    %eq3A_37 = vector.broadcast %broadcast_in_dim3A_28 : vector<256x1xi32> to vector<256x2064xi32>
    %eq3A_38 = arith.cmpi eq, %iota3A_19, %eq3A_37 : vector<256x2064xi32>
    %jit3A_39 = arith.constant 0xFF800000 : f32
    %broadcast_in_dim3A_40 = vector.broadcast %jit3A_39 : f32 to vector<256x2064xf32>
    %select_n3A_41 = arith.select %eq3A_38, %broadcast_in_dim3A_40, %concatenate3A : vector<256x2064xi1>, vector<256x2064xf32>
    %reduce_max3A_42 = arith.constant dense<0xFF800000> : vector<256xf32>
    %reduce_max3A_43 = vector.multi_reduction <maximumf>, %select_n3A_41, %reduce_max3A_42 [1] : vector<256x2064xf32> to vector<256xf32>
    %broadcast_in_dim3A_44 = vector.shape_cast %reduce_max3A_43 : vector<256xf32> to vector<256x1xf32>
    %eq3A_45 = vector.broadcast %broadcast_in_dim3A_44 : vector<256x1xf32> to vector<256x2064xf32>
    %eq3A_46 = arith.cmpf oeq, %select_n3A_41, %eq3A_45 : vector<256x2064xf32>
    %jit3A_47 = arith.constant 1073741824 : i32
    %broadcast_in_dim3A_48 = vector.broadcast %jit3A_47 : i32 to vector<256x2064xi32>
    %select_n3A_49 = arith.select %eq3A_46, %iota3A_19, %broadcast_in_dim3A_48 : vector<256x2064xi1>, vector<256x2064xi32>
    %reduce_min3A_50 = arith.constant dense<2147483647> : vector<256xi32>
    %reduce_min3A_51 = vector.multi_reduction <minsi>, %select_n3A_49, %reduce_min3A_50 [1] : vector<256x2064xi32> to vector<256xi32>
    %broadcast_in_dim3A_52 = vector.shape_cast %reduce_min3A_51 : vector<256xi32> to vector<256x1xi32>
    %eq3A_53 = vector.broadcast %broadcast_in_dim3A_52 : vector<256x1xi32> to vector<256x2064xi32>
    %eq3A_54 = arith.cmpi eq, %iota3A_19, %eq3A_53 : vector<256x2064xi32>
    %jit3A_55 = arith.constant 1073741824 : i32
    %broadcast_in_dim3A_56 = vector.broadcast %jit3A_55 : i32 to vector<256x2064xi32>
    %select_n3A_57 = arith.select %eq3A_54, %concatenate3A_18, %broadcast_in_dim3A_56 : vector<256x2064xi1>, vector<256x2064xi32>
    %reduce_min3A_58 = arith.constant dense<2147483647> : vector<256xi32>
    %reduce_min3A_59 = vector.multi_reduction <minsi>, %select_n3A_57, %reduce_min3A_58 [1] : vector<256x2064xi32> to vector<256xi32>
    %broadcast_in_dim3A_60 = vector.shape_cast %reduce_min3A_59 : vector<256xi32> to vector<256x1xi32>
    %eq3A_61 = vector.broadcast %broadcast_in_dim3A_52 : vector<256x1xi32> to vector<256x2064xi32>
    %eq3A_62 = arith.cmpi eq, %iota3A_19, %eq3A_61 : vector<256x2064xi32>
    %jit3A_63 = arith.constant 0xFF800000 : f32
    %broadcast_in_dim3A_64 = vector.broadcast %jit3A_63 : f32 to vector<256x2064xf32>
    %select_n3A_65 = arith.select %eq3A_62, %broadcast_in_dim3A_64, %select_n3A_41 : vector<256x2064xi1>, vector<256x2064xf32>
    %reduce_max3A_66 = arith.constant dense<0xFF800000> : vector<256xf32>
    %reduce_max3A_67 = vector.multi_reduction <maximumf>, %select_n3A_65, %reduce_max3A_66 [1] : vector<256x2064xf32> to vector<256xf32>
    %broadcast_in_dim3A_68 = vector.shape_cast %reduce_max3A_67 : vector<256xf32> to vector<256x1xf32>
    %eq3A_69 = vector.broadcast %broadcast_in_dim3A_68 : vector<256x1xf32> to vector<256x2064xf32>
    %eq3A_70 = arith.cmpf oeq, %select_n3A_65, %eq3A_69 : vector<256x2064xf32>
    %jit3A_71 = arith.constant 1073741824 : i32
    %broadcast_in_dim3A_72 = vector.broadcast %jit3A_71 : i32 to vector<256x2064xi32>
    %select_n3A_73 = arith.select %eq3A_70, %iota3A_19, %broadcast_in_dim3A_72 : vector<256x2064xi1>, vector<256x2064xi32>
    %reduce_min3A_74 = arith.constant dense<2147483647> : vector<256xi32>
    %reduce_min3A_75 = vector.multi_reduction <minsi>, %select_n3A_73, %reduce_min3A_74 [1] : vector<256x2064xi32> to vector<256xi32>
    %broadcast_in_dim3A_76 = vector.shape_cast %reduce_min3A_75 : vector<256xi32> to vector<256x1xi32>
    %eq3A_77 = vector.broadcast %broadcast_in_dim3A_76 : vector<256x1xi32> to vector<256x2064xi32>
    %eq3A_78 = arith.cmpi eq, %iota3A_19, %eq3A_77 : vector<256x2064xi32>
    %jit3A_79 = arith.constant 1073741824 : i32
    %broadcast_in_dim3A_80 = vector.broadcast %jit3A_79 : i32 to vector<256x2064xi32>
    %select_n3A_81 = arith.select %eq3A_78, %concatenate3A_18, %broadcast_in_dim3A_80 : vector<256x2064xi1>, vector<256x2064xi32>
    %reduce_min3A_82 = arith.constant dense<2147483647> : vector<256xi32>
    %reduce_min3A_83 = vector.multi_reduction <minsi>, %select_n3A_81, %reduce_min3A_82 [1] : vector<256x2064xi32> to vector<256xi32>
    %broadcast_in_dim3A_84 = vector.shape_cast %reduce_min3A_83 : vector<256xi32> to vector<256x1xi32>
    %eq3A_85 = vector.broadcast %broadcast_in_dim3A_76 : vector<256x1xi32> to vector<256x2064xi32>
    %eq3A_86 = arith.cmpi eq, %iota3A_19, %eq3A_85 : vector<256x2064xi32>
    %jit3A_87 = arith.constant 0xFF800000 : f32
    %broadcast_in_dim3A_88 = vector.broadcast %jit3A_87 : f32 to vector<256x2064xf32>
    %select_n3A_89 = arith.select %eq3A_86, %broadcast_in_dim3A_88, %select_n3A_65 : vector<256x2064xi1>, vector<256x2064xf32>
    %reduce_max3A_90 = arith.constant dense<0xFF800000> : vector<256xf32>
    %reduce_max3A_91 = vector.multi_reduction <maximumf>, %select_n3A_89, %reduce_max3A_90 [1] : vector<256x2064xf32> to vector<256xf32>
    %broadcast_in_dim3A_92 = vector.shape_cast %reduce_max3A_91 : vector<256xf32> to vector<256x1xf32>
    %eq3A_93 = vector.broadcast %broadcast_in_dim3A_92 : vector<256x1xf32> to vector<256x2064xf32>
    %eq3A_94 = arith.cmpf oeq, %select_n3A_89, %eq3A_93 : vector<256x2064xf32>
    %jit3A_95 = arith.constant 1073741824 : i32
    %broadcast_in_dim3A_96 = vector.broadcast %jit3A_95 : i32 to vector<256x2064xi32>
    %select_n3A_97 = arith.select %eq3A_94, %iota3A_19, %broadcast_in_dim3A_96 : vector<256x2064xi1>, vector<256x2064xi32>
    %reduce_min3A_98 = arith.constant dense<2147483647> : vector<256xi32>
    %reduce_min3A_99 = vector.multi_reduction <minsi>, %select_n3A_97, %reduce_min3A_98 [1] : vector<256x2064xi32> to vector<256xi32>
    %broadcast_in_dim3A_100 = vector.shape_cast %reduce_min3A_99 : vector<256xi32> to vector<256x1xi32>
    %eq3A_101 = vector.broadcast %broadcast_in_dim3A_100 : vector<256x1xi32> to vector<256x2064xi32>
    %eq3A_102 = arith.cmpi eq, %iota3A_19, %eq3A_101 : vector<256x2064xi32>
    %jit3A_103 = arith.constant 1073741824 : i32
    %broadcast_in_dim3A_104 = vector.broadcast %jit3A_103 : i32 to vector<256x2064xi32>
    %select_n3A_105 = arith.select %eq3A_102, %concatenate3A_18, %broadcast_in_dim3A_104 : vector<256x2064xi1>, vector<256x2064xi32>
    %reduce_min3A_106 = arith.constant dense<2147483647> : vector<256xi32>
    %reduce_min3A_107 = vector.multi_reduction <minsi>, %select_n3A_105, %reduce_min3A_106 [1] : vector<256x2064xi32> to vector<256xi32>
    %broadcast_in_dim3A_108 = vector.shape_cast %reduce_min3A_107 : vector<256xi32> to vector<256x1xi32>
    %eq3A_109 = vector.broadcast %broadcast_in_dim3A_100 : vector<256x1xi32> to vector<256x2064xi32>
    %eq3A_110 = arith.cmpi eq, %iota3A_19, %eq3A_109 : vector<256x2064xi32>
    %jit3A_111 = arith.constant 0xFF800000 : f32
    %broadcast_in_dim3A_112 = vector.broadcast %jit3A_111 : f32 to vector<256x2064xf32>
    %select_n3A_113 = arith.select %eq3A_110, %broadcast_in_dim3A_112, %select_n3A_89 : vector<256x2064xi1>, vector<256x2064xf32>
    %reduce_max3A_114 = arith.constant dense<0xFF800000> : vector<256xf32>
    %reduce_max3A_115 = vector.multi_reduction <maximumf>, %select_n3A_113, %reduce_max3A_114 [1] : vector<256x2064xf32> to vector<256xf32>
    %broadcast_in_dim3A_116 = vector.shape_cast %reduce_max3A_115 : vector<256xf32> to vector<256x1xf32>
    %eq3A_117 = vector.broadcast %broadcast_in_dim3A_116 : vector<256x1xf32> to vector<256x2064xf32>
    %eq3A_118 = arith.cmpf oeq, %select_n3A_113, %eq3A_117 : vector<256x2064xf32>
    %jit3A_119 = arith.constant 1073741824 : i32
    %broadcast_in_dim3A_120 = vector.broadcast %jit3A_119 : i32 to vector<256x2064xi32>
    %select_n3A_121 = arith.select %eq3A_118, %iota3A_19, %broadcast_in_dim3A_120 : vector<256x2064xi1>, vector<256x2064xi32>
    %reduce_min3A_122 = arith.constant dense<2147483647> : vector<256xi32>
    %reduce_min3A_123 = vector.multi_reduction <minsi>, %select_n3A_121, %reduce_min3A_122 [1] : vector<256x2064xi32> to vector<256xi32>
    %broadcast_in_dim3A_124 = vector.shape_cast %reduce_min3A_123 : vector<256xi32> to vector<256x1xi32>
    %eq3A_125 = vector.broadcast %broadcast_in_dim3A_124 : vector<256x1xi32> to vector<256x2064xi32>
    %eq3A_126 = arith.cmpi eq, %iota3A_19, %eq3A_125 : vector<256x2064xi32>
    %jit3A_127 = arith.constant 1073741824 : i32
    %broadcast_in_dim3A_128 = vector.broadcast %jit3A_127 : i32 to vector<256x2064xi32>
    %select_n3A_129 = arith.select %eq3A_126, %concatenate3A_18, %broadcast_in_dim3A_128 : vector<256x2064xi1>, vector<256x2064xi32>
    %reduce_min3A_130 = arith.constant dense<2147483647> : vector<256xi32>
    %reduce_min3A_131 = vector.multi_reduction <minsi>, %select_n3A_129, %reduce_min3A_130 [1] : vector<256x2064xi32> to vector<256xi32>
    %broadcast_in_dim3A_132 = vector.shape_cast %reduce_min3A_131 : vector<256xi32> to vector<256x1xi32>
    %eq3A_133 = vector.broadcast %broadcast_in_dim3A_124 : vector<256x1xi32> to vector<256x2064xi32>
    %eq3A_134 = arith.cmpi eq, %iota3A_19, %eq3A_133 : vector<256x2064xi32>
    %jit3A_135 = arith.constant 0xFF800000 : f32
    %broadcast_in_dim3A_136 = vector.broadcast %jit3A_135 : f32 to vector<256x2064xf32>
    %select_n3A_137 = arith.select %eq3A_134, %broadcast_in_dim3A_136, %select_n3A_113 : vector<256x2064xi1>, vector<256x2064xf32>
    %reduce_max3A_138 = arith.constant dense<0xFF800000> : vector<256xf32>
    %reduce_max3A_139 = vector.multi_reduction <maximumf>, %select_n3A_137, %reduce_max3A_138 [1] : vector<256x2064xf32> to vector<256xf32>
    %broadcast_in_dim3A_140 = vector.shape_cast %reduce_max3A_139 : vector<256xf32> to vector<256x1xf32>
    %eq3A_141 = vector.broadcast %broadcast_in_dim3A_140 : vector<256x1xf32> to vector<256x2064xf32>
    %eq3A_142 = arith.cmpf oeq, %select_n3A_137, %eq3A_141 : vector<256x2064xf32>
    %jit3A_143 = arith.constant 1073741824 : i32
    %broadcast_in_dim3A_144 = vector.broadcast %jit3A_143 : i32 to vector<256x2064xi32>
    %select_n3A_145 = arith.select %eq3A_142, %iota3A_19, %broadcast_in_dim3A_144 : vector<256x2064xi1>, vector<256x2064xi32>
    %reduce_min3A_146 = arith.constant dense<2147483647> : vector<256xi32>
    %reduce_min3A_147 = vector.multi_reduction <minsi>, %select_n3A_145, %reduce_min3A_146 [1] : vector<256x2064xi32> to vector<256xi32>
    %broadcast_in_dim3A_148 = vector.shape_cast %reduce_min3A_147 : vector<256xi32> to vector<256x1xi32>
    %eq3A_149 = vector.broadcast %broadcast_in_dim3A_148 : vector<256x1xi32> to vector<256x2064xi32>
    %eq3A_150 = arith.cmpi eq, %iota3A_19, %eq3A_149 : vector<256x2064xi32>
    %jit3A_151 = arith.constant 1073741824 : i32
    %broadcast_in_dim3A_152 = vector.broadcast %jit3A_151 : i32 to vector<256x2064xi32>
    %select_n3A_153 = arith.select %eq3A_150, %concatenate3A_18, %broadcast_in_dim3A_152 : vector<256x2064xi1>, vector<256x2064xi32>
    %reduce_min3A_154 = arith.constant dense<2147483647> : vector<256xi32>
    %reduce_min3A_155 = vector.multi_reduction <minsi>, %select_n3A_153, %reduce_min3A_154 [1] : vector<256x2064xi32> to vector<256xi32>
    %broadcast_in_dim3A_156 = vector.shape_cast %reduce_min3A_155 : vector<256xi32> to vector<256x1xi32>
    %eq3A_157 = vector.broadcast %broadcast_in_dim3A_148 : vector<256x1xi32> to vector<256x2064xi32>
    %eq3A_158 = arith.cmpi eq, %iota3A_19, %eq3A_157 : vector<256x2064xi32>
    %jit3A_159 = arith.constant 0xFF800000 : f32
    %broadcast_in_dim3A_160 = vector.broadcast %jit3A_159 : f32 to vector<256x2064xf32>
    %select_n3A_161 = arith.select %eq3A_158, %broadcast_in_dim3A_160, %select_n3A_137 : vector<256x2064xi1>, vector<256x2064xf32>
    %reduce_max3A_162 = arith.constant dense<0xFF800000> : vector<256xf32>
    %reduce_max3A_163 = vector.multi_reduction <maximumf>, %select_n3A_161, %reduce_max3A_162 [1] : vector<256x2064xf32> to vector<256xf32>
    %broadcast_in_dim3A_164 = vector.shape_cast %reduce_max3A_163 : vector<256xf32> to vector<256x1xf32>
    %eq3A_165 = vector.broadcast %broadcast_in_dim3A_164 : vector<256x1xf32> to vector<256x2064xf32>
    %eq3A_166 = arith.cmpf oeq, %select_n3A_161, %eq3A_165 : vector<256x2064xf32>
    %jit3A_167 = arith.constant 1073741824 : i32
    %broadcast_in_dim3A_168 = vector.broadcast %jit3A_167 : i32 to vector<256x2064xi32>
    %select_n3A_169 = arith.select %eq3A_166, %iota3A_19, %broadcast_in_dim3A_168 : vector<256x2064xi1>, vector<256x2064xi32>
    %reduce_min3A_170 = arith.constant dense<2147483647> : vector<256xi32>
    %reduce_min3A_171 = vector.multi_reduction <minsi>, %select_n3A_169, %reduce_min3A_170 [1] : vector<256x2064xi32> to vector<256xi32>
    %broadcast_in_dim3A_172 = vector.shape_cast %reduce_min3A_171 : vector<256xi32> to vector<256x1xi32>
    %eq3A_173 = vector.broadcast %broadcast_in_dim3A_172 : vector<256x1xi32> to vector<256x2064xi32>
    %eq3A_174 = arith.cmpi eq, %iota3A_19, %eq3A_173 : vector<256x2064xi32>
    %jit3A_175 = arith.constant 1073741824 : i32
    %broadcast_in_dim3A_176 = vector.broadcast %jit3A_175 : i32 to vector<256x2064xi32>
    %select_n3A_177 = arith.select %eq3A_174, %concatenate3A_18, %broadcast_in_dim3A_176 : vector<256x2064xi1>, vector<256x2064xi32>
    %reduce_min3A_178 = arith.constant dense<2147483647> : vector<256xi32>
    %reduce_min3A_179 = vector.multi_reduction <minsi>, %select_n3A_177, %reduce_min3A_178 [1] : vector<256x2064xi32> to vector<256xi32>
    %broadcast_in_dim3A_180 = vector.shape_cast %reduce_min3A_179 : vector<256xi32> to vector<256x1xi32>
    %eq3A_181 = vector.broadcast %broadcast_in_dim3A_172 : vector<256x1xi32> to vector<256x2064xi32>
    %eq3A_182 = arith.cmpi eq, %iota3A_19, %eq3A_181 : vector<256x2064xi32>
    %jit3A_183 = arith.constant 0xFF800000 : f32
    %broadcast_in_dim3A_184 = vector.broadcast %jit3A_183 : f32 to vector<256x2064xf32>
    %select_n3A_185 = arith.select %eq3A_182, %broadcast_in_dim3A_184, %select_n3A_161 : vector<256x2064xi1>, vector<256x2064xf32>
    %reduce_max3A_186 = arith.constant dense<0xFF800000> : vector<256xf32>
    %reduce_max3A_187 = vector.multi_reduction <maximumf>, %select_n3A_185, %reduce_max3A_186 [1] : vector<256x2064xf32> to vector<256xf32>
    %broadcast_in_dim3A_188 = vector.shape_cast %reduce_max3A_187 : vector<256xf32> to vector<256x1xf32>
    %eq3A_189 = vector.broadcast %broadcast_in_dim3A_188 : vector<256x1xf32> to vector<256x2064xf32>
    %eq3A_190 = arith.cmpf oeq, %select_n3A_185, %eq3A_189 : vector<256x2064xf32>
    %jit3A_191 = arith.constant 1073741824 : i32
    %broadcast_in_dim3A_192 = vector.broadcast %jit3A_191 : i32 to vector<256x2064xi32>
    %select_n3A_193 = arith.select %eq3A_190, %iota3A_19, %broadcast_in_dim3A_192 : vector<256x2064xi1>, vector<256x2064xi32>
    %reduce_min3A_194 = arith.constant dense<2147483647> : vector<256xi32>
    %reduce_min3A_195 = vector.multi_reduction <minsi>, %select_n3A_193, %reduce_min3A_194 [1] : vector<256x2064xi32> to vector<256xi32>
    %broadcast_in_dim3A_196 = vector.shape_cast %reduce_min3A_195 : vector<256xi32> to vector<256x1xi32>
    %eq3A_197 = vector.broadcast %broadcast_in_dim3A_196 : vector<256x1xi32> to vector<256x2064xi32>
    %eq3A_198 = arith.cmpi eq, %iota3A_19, %eq3A_197 : vector<256x2064xi32>
    %jit3A_199 = arith.constant 1073741824 : i32
    %broadcast_in_dim3A_200 = vector.broadcast %jit3A_199 : i32 to vector<256x2064xi32>
    %select_n3A_201 = arith.select %eq3A_198, %concatenate3A_18, %broadcast_in_dim3A_200 : vector<256x2064xi1>, vector<256x2064xi32>
    %reduce_min3A_202 = arith.constant dense<2147483647> : vector<256xi32>
    %reduce_min3A_203 = vector.multi_reduction <minsi>, %select_n3A_201, %reduce_min3A_202 [1] : vector<256x2064xi32> to vector<256xi32>
    %broadcast_in_dim3A_204 = vector.shape_cast %reduce_min3A_203 : vector<256xi32> to vector<256x1xi32>
    %eq3A_205 = vector.broadcast %broadcast_in_dim3A_196 : vector<256x1xi32> to vector<256x2064xi32>
    %eq3A_206 = arith.cmpi eq, %iota3A_19, %eq3A_205 : vector<256x2064xi32>
    %jit3A_207 = arith.constant 0xFF800000 : f32
    %broadcast_in_dim3A_208 = vector.broadcast %jit3A_207 : f32 to vector<256x2064xf32>
    %select_n3A_209 = arith.select %eq3A_206, %broadcast_in_dim3A_208, %select_n3A_185 : vector<256x2064xi1>, vector<256x2064xf32>
    %reduce_max3A_210 = arith.constant dense<0xFF800000> : vector<256xf32>
    %reduce_max3A_211 = vector.multi_reduction <maximumf>, %select_n3A_209, %reduce_max3A_210 [1] : vector<256x2064xf32> to vector<256xf32>
    %broadcast_in_dim3A_212 = vector.shape_cast %reduce_max3A_211 : vector<256xf32> to vector<256x1xf32>
    %eq3A_213 = vector.broadcast %broadcast_in_dim3A_212 : vector<256x1xf32> to vector<256x2064xf32>
    %eq3A_214 = arith.cmpf oeq, %select_n3A_209, %eq3A_213 : vector<256x2064xf32>
    %jit3A_215 = arith.constant 1073741824 : i32
    %broadcast_in_dim3A_216 = vector.broadcast %jit3A_215 : i32 to vector<256x2064xi32>
    %select_n3A_217 = arith.select %eq3A_214, %iota3A_19, %broadcast_in_dim3A_216 : vector<256x2064xi1>, vector<256x2064xi32>
    %reduce_min3A_218 = arith.constant dense<2147483647> : vector<256xi32>
    %reduce_min3A_219 = vector.multi_reduction <minsi>, %select_n3A_217, %reduce_min3A_218 [1] : vector<256x2064xi32> to vector<256xi32>
    %broadcast_in_dim3A_220 = vector.shape_cast %reduce_min3A_219 : vector<256xi32> to vector<256x1xi32>
    %eq3A_221 = vector.broadcast %broadcast_in_dim3A_220 : vector<256x1xi32> to vector<256x2064xi32>
    %eq3A_222 = arith.cmpi eq, %iota3A_19, %eq3A_221 : vector<256x2064xi32>
    %jit3A_223 = arith.constant 1073741824 : i32
    %broadcast_in_dim3A_224 = vector.broadcast %jit3A_223 : i32 to vector<256x2064xi32>
    %select_n3A_225 = arith.select %eq3A_222, %concatenate3A_18, %broadcast_in_dim3A_224 : vector<256x2064xi1>, vector<256x2064xi32>
    %reduce_min3A_226 = arith.constant dense<2147483647> : vector<256xi32>
    %reduce_min3A_227 = vector.multi_reduction <minsi>, %select_n3A_225, %reduce_min3A_226 [1] : vector<256x2064xi32> to vector<256xi32>
    %broadcast_in_dim3A_228 = vector.shape_cast %reduce_min3A_227 : vector<256xi32> to vector<256x1xi32>
    %eq3A_229 = vector.broadcast %broadcast_in_dim3A_220 : vector<256x1xi32> to vector<256x2064xi32>
    %eq3A_230 = arith.cmpi eq, %iota3A_19, %eq3A_229 : vector<256x2064xi32>
    %jit3A_231 = arith.constant 0xFF800000 : f32
    %broadcast_in_dim3A_232 = vector.broadcast %jit3A_231 : f32 to vector<256x2064xf32>
    %select_n3A_233 = arith.select %eq3A_230, %broadcast_in_dim3A_232, %select_n3A_209 : vector<256x2064xi1>, vector<256x2064xf32>
    %reduce_max3A_234 = arith.constant dense<0xFF800000> : vector<256xf32>
    %reduce_max3A_235 = vector.multi_reduction <maximumf>, %select_n3A_233, %reduce_max3A_234 [1] : vector<256x2064xf32> to vector<256xf32>
    %broadcast_in_dim3A_236 = vector.shape_cast %reduce_max3A_235 : vector<256xf32> to vector<256x1xf32>
    %eq3A_237 = vector.broadcast %broadcast_in_dim3A_236 : vector<256x1xf32> to vector<256x2064xf32>
    %eq3A_238 = arith.cmpf oeq, %select_n3A_233, %eq3A_237 : vector<256x2064xf32>
    %jit3A_239 = arith.constant 1073741824 : i32
    %broadcast_in_dim3A_240 = vector.broadcast %jit3A_239 : i32 to vector<256x2064xi32>
    %select_n3A_241 = arith.select %eq3A_238, %iota3A_19, %broadcast_in_dim3A_240 : vector<256x2064xi1>, vector<256x2064xi32>
    %reduce_min3A_242 = arith.constant dense<2147483647> : vector<256xi32>
    %reduce_min3A_243 = vector.multi_reduction <minsi>, %select_n3A_241, %reduce_min3A_242 [1] : vector<256x2064xi32> to vector<256xi32>
    %broadcast_in_dim3A_244 = vector.shape_cast %reduce_min3A_243 : vector<256xi32> to vector<256x1xi32>
    %eq3A_245 = vector.broadcast %broadcast_in_dim3A_244 : vector<256x1xi32> to vector<256x2064xi32>
    %eq3A_246 = arith.cmpi eq, %iota3A_19, %eq3A_245 : vector<256x2064xi32>
    %jit3A_247 = arith.constant 1073741824 : i32
    %broadcast_in_dim3A_248 = vector.broadcast %jit3A_247 : i32 to vector<256x2064xi32>
    %select_n3A_249 = arith.select %eq3A_246, %concatenate3A_18, %broadcast_in_dim3A_248 : vector<256x2064xi1>, vector<256x2064xi32>
    %reduce_min3A_250 = arith.constant dense<2147483647> : vector<256xi32>
    %reduce_min3A_251 = vector.multi_reduction <minsi>, %select_n3A_249, %reduce_min3A_250 [1] : vector<256x2064xi32> to vector<256xi32>
    %broadcast_in_dim3A_252 = vector.shape_cast %reduce_min3A_251 : vector<256xi32> to vector<256x1xi32>
    %eq3A_253 = vector.broadcast %broadcast_in_dim3A_244 : vector<256x1xi32> to vector<256x2064xi32>
    %eq3A_254 = arith.cmpi eq, %iota3A_19, %eq3A_253 : vector<256x2064xi32>
    %jit3A_255 = arith.constant 0xFF800000 : f32
    %broadcast_in_dim3A_256 = vector.broadcast %jit3A_255 : f32 to vector<256x2064xf32>
    %select_n3A_257 = arith.select %eq3A_254, %broadcast_in_dim3A_256, %select_n3A_233 : vector<256x2064xi1>, vector<256x2064xf32>
    %reduce_max3A_258 = arith.constant dense<0xFF800000> : vector<256xf32>
    %reduce_max3A_259 = vector.multi_reduction <maximumf>, %select_n3A_257, %reduce_max3A_258 [1] : vector<256x2064xf32> to vector<256xf32>
    %broadcast_in_dim3A_260 = vector.shape_cast %reduce_max3A_259 : vector<256xf32> to vector<256x1xf32>
    %eq3A_261 = vector.broadcast %broadcast_in_dim3A_260 : vector<256x1xf32> to vector<256x2064xf32>
    %eq3A_262 = arith.cmpf oeq, %select_n3A_257, %eq3A_261 : vector<256x2064xf32>
    %jit3A_263 = arith.constant 1073741824 : i32
    %broadcast_in_dim3A_264 = vector.broadcast %jit3A_263 : i32 to vector<256x2064xi32>
    %select_n3A_265 = arith.select %eq3A_262, %iota3A_19, %broadcast_in_dim3A_264 : vector<256x2064xi1>, vector<256x2064xi32>
    %reduce_min3A_266 = arith.constant dense<2147483647> : vector<256xi32>
    %reduce_min3A_267 = vector.multi_reduction <minsi>, %select_n3A_265, %reduce_min3A_266 [1] : vector<256x2064xi32> to vector<256xi32>
    %broadcast_in_dim3A_268 = vector.shape_cast %reduce_min3A_267 : vector<256xi32> to vector<256x1xi32>
    %eq3A_269 = vector.broadcast %broadcast_in_dim3A_268 : vector<256x1xi32> to vector<256x2064xi32>
    %eq3A_270 = arith.cmpi eq, %iota3A_19, %eq3A_269 : vector<256x2064xi32>
    %jit3A_271 = arith.constant 1073741824 : i32
    %broadcast_in_dim3A_272 = vector.broadcast %jit3A_271 : i32 to vector<256x2064xi32>
    %select_n3A_273 = arith.select %eq3A_270, %concatenate3A_18, %broadcast_in_dim3A_272 : vector<256x2064xi1>, vector<256x2064xi32>
    %reduce_min3A_274 = arith.constant dense<2147483647> : vector<256xi32>
    %reduce_min3A_275 = vector.multi_reduction <minsi>, %select_n3A_273, %reduce_min3A_274 [1] : vector<256x2064xi32> to vector<256xi32>
    %broadcast_in_dim3A_276 = vector.shape_cast %reduce_min3A_275 : vector<256xi32> to vector<256x1xi32>
    %eq3A_277 = vector.broadcast %broadcast_in_dim3A_268 : vector<256x1xi32> to vector<256x2064xi32>
    %eq3A_278 = arith.cmpi eq, %iota3A_19, %eq3A_277 : vector<256x2064xi32>
    %jit3A_279 = arith.constant 0xFF800000 : f32
    %broadcast_in_dim3A_280 = vector.broadcast %jit3A_279 : f32 to vector<256x2064xf32>
    %select_n3A_281 = arith.select %eq3A_278, %broadcast_in_dim3A_280, %select_n3A_257 : vector<256x2064xi1>, vector<256x2064xf32>
    %reduce_max3A_282 = arith.constant dense<0xFF800000> : vector<256xf32>
    %reduce_max3A_283 = vector.multi_reduction <maximumf>, %select_n3A_281, %reduce_max3A_282 [1] : vector<256x2064xf32> to vector<256xf32>
    %broadcast_in_dim3A_284 = vector.shape_cast %reduce_max3A_283 : vector<256xf32> to vector<256x1xf32>
    %eq3A_285 = vector.broadcast %broadcast_in_dim3A_284 : vector<256x1xf32> to vector<256x2064xf32>
    %eq3A_286 = arith.cmpf oeq, %select_n3A_281, %eq3A_285 : vector<256x2064xf32>
    %jit3A_287 = arith.constant 1073741824 : i32
    %broadcast_in_dim3A_288 = vector.broadcast %jit3A_287 : i32 to vector<256x2064xi32>
    %select_n3A_289 = arith.select %eq3A_286, %iota3A_19, %broadcast_in_dim3A_288 : vector<256x2064xi1>, vector<256x2064xi32>
    %reduce_min3A_290 = arith.constant dense<2147483647> : vector<256xi32>
    %reduce_min3A_291 = vector.multi_reduction <minsi>, %select_n3A_289, %reduce_min3A_290 [1] : vector<256x2064xi32> to vector<256xi32>
    %broadcast_in_dim3A_292 = vector.shape_cast %reduce_min3A_291 : vector<256xi32> to vector<256x1xi32>
    %eq3A_293 = vector.broadcast %broadcast_in_dim3A_292 : vector<256x1xi32> to vector<256x2064xi32>
    %eq3A_294 = arith.cmpi eq, %iota3A_19, %eq3A_293 : vector<256x2064xi32>
    %jit3A_295 = arith.constant 1073741824 : i32
    %broadcast_in_dim3A_296 = vector.broadcast %jit3A_295 : i32 to vector<256x2064xi32>
    %select_n3A_297 = arith.select %eq3A_294, %concatenate3A_18, %broadcast_in_dim3A_296 : vector<256x2064xi1>, vector<256x2064xi32>
    %reduce_min3A_298 = arith.constant dense<2147483647> : vector<256xi32>
    %reduce_min3A_299 = vector.multi_reduction <minsi>, %select_n3A_297, %reduce_min3A_298 [1] : vector<256x2064xi32> to vector<256xi32>
    %broadcast_in_dim3A_300 = vector.shape_cast %reduce_min3A_299 : vector<256xi32> to vector<256x1xi32>
    %eq3A_301 = vector.broadcast %broadcast_in_dim3A_292 : vector<256x1xi32> to vector<256x2064xi32>
    %eq3A_302 = arith.cmpi eq, %iota3A_19, %eq3A_301 : vector<256x2064xi32>
    %jit3A_303 = arith.constant 0xFF800000 : f32
    %broadcast_in_dim3A_304 = vector.broadcast %jit3A_303 : f32 to vector<256x2064xf32>
    %select_n3A_305 = arith.select %eq3A_302, %broadcast_in_dim3A_304, %select_n3A_281 : vector<256x2064xi1>, vector<256x2064xf32>
    %reduce_max3A_306 = arith.constant dense<0xFF800000> : vector<256xf32>
    %reduce_max3A_307 = vector.multi_reduction <maximumf>, %select_n3A_305, %reduce_max3A_306 [1] : vector<256x2064xf32> to vector<256xf32>
    %broadcast_in_dim3A_308 = vector.shape_cast %reduce_max3A_307 : vector<256xf32> to vector<256x1xf32>
    %eq3A_309 = vector.broadcast %broadcast_in_dim3A_308 : vector<256x1xf32> to vector<256x2064xf32>
    %eq3A_310 = arith.cmpf oeq, %select_n3A_305, %eq3A_309 : vector<256x2064xf32>
    %jit3A_311 = arith.constant 1073741824 : i32
    %broadcast_in_dim3A_312 = vector.broadcast %jit3A_311 : i32 to vector<256x2064xi32>
    %select_n3A_313 = arith.select %eq3A_310, %iota3A_19, %broadcast_in_dim3A_312 : vector<256x2064xi1>, vector<256x2064xi32>
    %reduce_min3A_314 = arith.constant dense<2147483647> : vector<256xi32>
    %reduce_min3A_315 = vector.multi_reduction <minsi>, %select_n3A_313, %reduce_min3A_314 [1] : vector<256x2064xi32> to vector<256xi32>
    %broadcast_in_dim3A_316 = vector.shape_cast %reduce_min3A_315 : vector<256xi32> to vector<256x1xi32>
    %eq3A_317 = vector.broadcast %broadcast_in_dim3A_316 : vector<256x1xi32> to vector<256x2064xi32>
    %eq3A_318 = arith.cmpi eq, %iota3A_19, %eq3A_317 : vector<256x2064xi32>
    %jit3A_319 = arith.constant 1073741824 : i32
    %broadcast_in_dim3A_320 = vector.broadcast %jit3A_319 : i32 to vector<256x2064xi32>
    %select_n3A_321 = arith.select %eq3A_318, %concatenate3A_18, %broadcast_in_dim3A_320 : vector<256x2064xi1>, vector<256x2064xi32>
    %reduce_min3A_322 = arith.constant dense<2147483647> : vector<256xi32>
    %reduce_min3A_323 = vector.multi_reduction <minsi>, %select_n3A_321, %reduce_min3A_322 [1] : vector<256x2064xi32> to vector<256xi32>
    %broadcast_in_dim3A_324 = vector.shape_cast %reduce_min3A_323 : vector<256xi32> to vector<256x1xi32>
    %eq3A_325 = vector.broadcast %broadcast_in_dim3A_316 : vector<256x1xi32> to vector<256x2064xi32>
    %eq3A_326 = arith.cmpi eq, %iota3A_19, %eq3A_325 : vector<256x2064xi32>
    %jit3A_327 = arith.constant 0xFF800000 : f32
    %broadcast_in_dim3A_328 = vector.broadcast %jit3A_327 : f32 to vector<256x2064xf32>
    %select_n3A_329 = arith.select %eq3A_326, %broadcast_in_dim3A_328, %select_n3A_305 : vector<256x2064xi1>, vector<256x2064xf32>
    %reduce_max3A_330 = arith.constant dense<0xFF800000> : vector<256xf32>
    %reduce_max3A_331 = vector.multi_reduction <maximumf>, %select_n3A_329, %reduce_max3A_330 [1] : vector<256x2064xf32> to vector<256xf32>
    %broadcast_in_dim3A_332 = vector.shape_cast %reduce_max3A_331 : vector<256xf32> to vector<256x1xf32>
    %eq3A_333 = vector.broadcast %broadcast_in_dim3A_332 : vector<256x1xf32> to vector<256x2064xf32>
    %eq3A_334 = arith.cmpf oeq, %select_n3A_329, %eq3A_333 : vector<256x2064xf32>
    %jit3A_335 = arith.constant 1073741824 : i32
    %broadcast_in_dim3A_336 = vector.broadcast %jit3A_335 : i32 to vector<256x2064xi32>
    %select_n3A_337 = arith.select %eq3A_334, %iota3A_19, %broadcast_in_dim3A_336 : vector<256x2064xi1>, vector<256x2064xi32>
    %reduce_min3A_338 = arith.constant dense<2147483647> : vector<256xi32>
    %reduce_min3A_339 = vector.multi_reduction <minsi>, %select_n3A_337, %reduce_min3A_338 [1] : vector<256x2064xi32> to vector<256xi32>
    %broadcast_in_dim3A_340 = vector.shape_cast %reduce_min3A_339 : vector<256xi32> to vector<256x1xi32>
    %eq3A_341 = vector.broadcast %broadcast_in_dim3A_340 : vector<256x1xi32> to vector<256x2064xi32>
    %eq3A_342 = arith.cmpi eq, %iota3A_19, %eq3A_341 : vector<256x2064xi32>
    %jit3A_343 = arith.constant 1073741824 : i32
    %broadcast_in_dim3A_344 = vector.broadcast %jit3A_343 : i32 to vector<256x2064xi32>
    %select_n3A_345 = arith.select %eq3A_342, %concatenate3A_18, %broadcast_in_dim3A_344 : vector<256x2064xi1>, vector<256x2064xi32>
    %reduce_min3A_346 = arith.constant dense<2147483647> : vector<256xi32>
    %reduce_min3A_347 = vector.multi_reduction <minsi>, %select_n3A_345, %reduce_min3A_346 [1] : vector<256x2064xi32> to vector<256xi32>
    %broadcast_in_dim3A_348 = vector.shape_cast %reduce_min3A_347 : vector<256xi32> to vector<256x1xi32>
    %eq3A_349 = vector.broadcast %broadcast_in_dim3A_340 : vector<256x1xi32> to vector<256x2064xi32>
    %eq3A_350 = arith.cmpi eq, %iota3A_19, %eq3A_349 : vector<256x2064xi32>
    %jit3A_351 = arith.constant 0xFF800000 : f32
    %broadcast_in_dim3A_352 = vector.broadcast %jit3A_351 : f32 to vector<256x2064xf32>
    %select_n3A_353 = arith.select %eq3A_350, %broadcast_in_dim3A_352, %select_n3A_329 : vector<256x2064xi1>, vector<256x2064xf32>
    %reduce_max3A_354 = arith.constant dense<0xFF800000> : vector<256xf32>
    %reduce_max3A_355 = vector.multi_reduction <maximumf>, %select_n3A_353, %reduce_max3A_354 [1] : vector<256x2064xf32> to vector<256xf32>
    %broadcast_in_dim3A_356 = vector.shape_cast %reduce_max3A_355 : vector<256xf32> to vector<256x1xf32>
    %eq3A_357 = vector.broadcast %broadcast_in_dim3A_356 : vector<256x1xf32> to vector<256x2064xf32>
    %eq3A_358 = arith.cmpf oeq, %select_n3A_353, %eq3A_357 : vector<256x2064xf32>
    %jit3A_359 = arith.constant 1073741824 : i32
    %broadcast_in_dim3A_360 = vector.broadcast %jit3A_359 : i32 to vector<256x2064xi32>
    %select_n3A_361 = arith.select %eq3A_358, %iota3A_19, %broadcast_in_dim3A_360 : vector<256x2064xi1>, vector<256x2064xi32>
    %reduce_min3A_362 = arith.constant dense<2147483647> : vector<256xi32>
    %reduce_min3A_363 = vector.multi_reduction <minsi>, %select_n3A_361, %reduce_min3A_362 [1] : vector<256x2064xi32> to vector<256xi32>
    %broadcast_in_dim3A_364 = vector.shape_cast %reduce_min3A_363 : vector<256xi32> to vector<256x1xi32>
    %eq3A_365 = vector.broadcast %broadcast_in_dim3A_364 : vector<256x1xi32> to vector<256x2064xi32>
    %eq3A_366 = arith.cmpi eq, %iota3A_19, %eq3A_365 : vector<256x2064xi32>
    %jit3A_367 = arith.constant 1073741824 : i32
    %broadcast_in_dim3A_368 = vector.broadcast %jit3A_367 : i32 to vector<256x2064xi32>
    %select_n3A_369 = arith.select %eq3A_366, %concatenate3A_18, %broadcast_in_dim3A_368 : vector<256x2064xi1>, vector<256x2064xi32>
    %reduce_min3A_370 = arith.constant dense<2147483647> : vector<256xi32>
    %reduce_min3A_371 = vector.multi_reduction <minsi>, %select_n3A_369, %reduce_min3A_370 [1] : vector<256x2064xi32> to vector<256xi32>
    %broadcast_in_dim3A_372 = vector.shape_cast %reduce_min3A_371 : vector<256xi32> to vector<256x1xi32>
    %eq3A_373 = vector.broadcast %broadcast_in_dim3A_364 : vector<256x1xi32> to vector<256x2064xi32>
    %eq3A_374 = arith.cmpi eq, %iota3A_19, %eq3A_373 : vector<256x2064xi32>
    %jit3A_375 = arith.constant 0xFF800000 : f32
    %broadcast_in_dim3A_376 = vector.broadcast %jit3A_375 : f32 to vector<256x2064xf32>
    %select_n3A_377 = arith.select %eq3A_374, %broadcast_in_dim3A_376, %select_n3A_353 : vector<256x2064xi1>, vector<256x2064xf32>
    %reduce_max3A_378 = arith.constant dense<0xFF800000> : vector<256xf32>
    %reduce_max3A_379 = vector.multi_reduction <maximumf>, %select_n3A_377, %reduce_max3A_378 [1] : vector<256x2064xf32> to vector<256xf32>
    %broadcast_in_dim3A_380 = vector.shape_cast %reduce_max3A_379 : vector<256xf32> to vector<256x1xf32>
    %eq3A_381 = vector.broadcast %broadcast_in_dim3A_380 : vector<256x1xf32> to vector<256x2064xf32>
    %eq3A_382 = arith.cmpf oeq, %select_n3A_377, %eq3A_381 : vector<256x2064xf32>
    %jit3A_383 = arith.constant 1073741824 : i32
    %broadcast_in_dim3A_384 = vector.broadcast %jit3A_383 : i32 to vector<256x2064xi32>
    %select_n3A_385 = arith.select %eq3A_382, %iota3A_19, %broadcast_in_dim3A_384 : vector<256x2064xi1>, vector<256x2064xi32>
    %reduce_min3A_386 = arith.constant dense<2147483647> : vector<256xi32>
    %reduce_min3A_387 = vector.multi_reduction <minsi>, %select_n3A_385, %reduce_min3A_386 [1] : vector<256x2064xi32> to vector<256xi32>
    %broadcast_in_dim3A_388 = vector.shape_cast %reduce_min3A_387 : vector<256xi32> to vector<256x1xi32>
    %eq3A_389 = vector.broadcast %broadcast_in_dim3A_388 : vector<256x1xi32> to vector<256x2064xi32>
    %eq3A_390 = arith.cmpi eq, %iota3A_19, %eq3A_389 : vector<256x2064xi32>
    %jit3A_391 = arith.constant 1073741824 : i32
    %broadcast_in_dim3A_392 = vector.broadcast %jit3A_391 : i32 to vector<256x2064xi32>
    %select_n3A_393 = arith.select %eq3A_390, %concatenate3A_18, %broadcast_in_dim3A_392 : vector<256x2064xi1>, vector<256x2064xi32>
    %reduce_min3A_394 = arith.constant dense<2147483647> : vector<256xi32>
    %reduce_min3A_395 = vector.multi_reduction <minsi>, %select_n3A_393, %reduce_min3A_394 [1] : vector<256x2064xi32> to vector<256xi32>
    %broadcast_in_dim3A_396 = vector.shape_cast %reduce_min3A_395 : vector<256xi32> to vector<256x1xi32>
    %concatenate3A_397 = tpu.concatenate %broadcast_in_dim3A_21, %broadcast_in_dim3A_44, %broadcast_in_dim3A_68, %broadcast_in_dim3A_92, %broadcast_in_dim3A_116, %broadcast_in_dim3A_140, %broadcast_in_dim3A_164, %broadcast_in_dim3A_188, %broadcast_in_dim3A_212, %broadcast_in_dim3A_236, %broadcast_in_dim3A_260, %broadcast_in_dim3A_284, %broadcast_in_dim3A_308, %broadcast_in_dim3A_332, %broadcast_in_dim3A_356, %broadcast_in_dim3A_380 in 1 : vector<256x1xf32>, vector<256x1xf32>, vector<256x1xf32>, vector<256x1xf32>, vector<256x1xf32>, vector<256x1xf32>, vector<256x1xf32>, vector<256x1xf32>, vector<256x1xf32>, vector<256x1xf32>, vector<256x1xf32>, vector<256x1xf32>, vector<256x1xf32>, vector<256x1xf32>, vector<256x1xf32>, vector<256x1xf32> -> vector<256x16xf32>
    %swap3A = arith.constant 0 : index
    %swap3A_398 = arith.constant 0 : index
    %swap3A_399 = vector.load %arg8[%swap3A, %swap3A_398] : memref<256x16xf32, #tpu.memory_space<vmem>>, vector<256x16xf32>
    tpu.vector_store %arg8[%swap3A, %swap3A_398], %concatenate3A_397 {strides = array<i32>} : memref<256x16xf32, #tpu.memory_space<vmem>>, vector<256x16xf32>,
    %concatenate3A_400 = tpu.concatenate %broadcast_in_dim3A_36, %broadcast_in_dim3A_60, %broadcast_in_dim3A_84, %broadcast_in_dim3A_108, %broadcast_in_dim3A_132, %broadcast_in_dim3A_156, %broadcast_in_dim3A_180, %broadcast_in_dim3A_204, %broadcast_in_dim3A_228, %broadcast_in_dim3A_252, %broadcast_in_dim3A_276, %broadcast_in_dim3A_300, %broadcast_in_dim3A_324, %broadcast_in_dim3A_348, %broadcast_in_dim3A_372, %broadcast_in_dim3A_396 in 1 : vector<256x1xi32>, vector<256x1xi32>, vector<256x1xi32>, vector<256x1xi32>, vector<256x1xi32>, vector<256x1xi32>, vector<256x1xi32>, vector<256x1xi32>, vector<256x1xi32>, vector<256x1xi32>, vector<256x1xi32>, vector<256x1xi32>, vector<256x1xi32>, vector<256x1xi32>, vector<256x1xi32>, vector<256x1xi32> -> vector<256x16xi32>
    %swap3A_401 = arith.constant 0 : index
    %swap3A_402 = arith.constant 0 : index
    %swap3A_403 = vector.load %arg9[%swap3A_401, %swap3A_402] : memref<256x16xi32, #tpu.memory_space<vmem>>, vector<256x16xi32>
    tpu.vector_store %arg9[%swap3A_401, %swap3A_402], %concatenate3A_400 {strides = array<i32>} : memref<256x16xi32, #tpu.memory_space<vmem>>, vector<256x16xi32>,
    %eq3A_404 = arith.constant 48 : i32
    %eq3A_405 = arith.cmpi eq, %arg1, %eq3A_404 : i32
    %convert_element_type3A_406 = arith.extui %eq3A_405 : i1 to i32
    %cond3A_407 = arith.constant 0 : i32
    %cond3A_408 = arith.cmpi ne, %convert_element_type3A_406, %cond3A_407 : i32
    scf.if %cond3A_408 {
      %get3A_409 = arith.constant 0 : index
      %get3A_410 = arith.constant 0 : index
      %get3A_411 = vector.load %arg8[%get3A_409, %get3A_410] : memref<256x16xf32, #tpu.memory_space<vmem>>, vector<256x16xf32>
      %swap3A_412 = arith.constant 0 : index
      %swap3A_413 = arith.constant 0 : index
      %swap3A_414 = vector.load %arg6[%swap3A_412, %swap3A_413] : memref<256x16xf32, #tpu.memory_space<vmem>>, vector<256x16xf32>
      tpu.vector_store %arg6[%swap3A_412, %swap3A_413], %get3A_411 {strides = array<i32>} : memref<256x16xf32, #tpu.memory_space<vmem>>, vector<256x16xf32>,
      %get3A_415 = arith.constant 0 : index
      %get3A_416 = arith.constant 0 : index
      %get3A_417 = vector.load %arg9[%get3A_415, %get3A_416] : memref<256x16xi32, #tpu.memory_space<vmem>>, vector<256x16xi32>
      %swap3A_418 = arith.constant 0 : index
      %swap3A_419 = arith.constant 0 : index
      %swap3A_420 = vector.load %arg5[%swap3A_418, %swap3A_419] : memref<256x16xi32, #tpu.memory_space<vmem>>, vector<256x16xi32>
      tpu.vector_store %arg5[%swap3A_418, %swap3A_419], %get3A_417 {strides = array<i32>} : memref<256x16xi32, #tpu.memory_space<vmem>>, vector<256x16xi32>,
    } else {
    }
    return
  }
  func.func @transform_0(%arg0: i32, %arg1: i32) -> (i32, i32) {
    %c0_i32 = arith.constant 0 : i32
    %c0_i32_0 = arith.constant 0 : i32
    return %arg0, %c0_i32 : i32, i32
  }
  func.func @transform_1(%arg0: i32, %arg1: i32) -> (i32, i32) {
    %c0_i32 = arith.constant 0 : i32
    %c0_i32_0 = arith.constant 0 : i32
    %c0_i32_1 = arith.constant 0 : i32
    return %c0_i32, %c0_i32_0 : i32, i32
  }
  func.func @transform_2(%arg0: i32, %arg1: i32) -> (i32, i32) {
    %c0_i32 = arith.constant 0 : i32
    %c0_i32_0 = arith.constant 0 : i32
    return %arg1, %c0_i32 : i32, i32
  }
  func.func @transform_3(%arg0: i32, %arg1: i32) -> (i32, i32) {
    %c0_i32 = arith.constant 0 : i32
    %c0_i32_0 = arith.constant 0 : i32
    return %arg0, %c0_i32 : i32, i32
  }
  func.func @transform_4(%arg0: i32, %arg1: i32) -> (i32, i32) {
    %c0_i32 = arith.constant 0 : i32
    %c0_i32_0 = arith.constant 0 : i32
    return %arg0, %c0_i32 : i32, i32
  }
}

</mosaic_0001>

<sc_bundles>
// kernel: gather_offload_async_start
scs
__scs_entry_jumppad:
0x0: {  	(pc) =	sbr.rel $0x88, $3  }
0x1: {  	(tag) =	ssettag $0x0;
	lr =	simm.s32 $0x1  }
0x2: {  	[smem:$0x3F9D] =	sst lr;
	_ =	strace $0xD0000000  }
0x3: {  	_ = 	snop  }
0x4: {  	_ = 	snop  }
0x5: {  	_ = 	snop  }
0x6: {  	_ = 	snop  }
0x7: {  	_ = 	snop  }
__scs_overlays_trampoline_lowered:
0x8: {  	[smem:$0x3FAC] =	sst s0  }
0x9: {  	[smem:$0x3FAD] =	sst s1  }
0xa: {  	[smem:$0x3FAE] =	sst s2  }
0xb: {  	[smem:$0x3FAF] =	sst s3  }
0xc: {  	[smem:$0x3FB0] =	sst s4  }
0xd: {  	[smem:$0x3FB1] =	sst s5  }
0xe: {  	[smem:$0x3FB2] =	sst s6  }
0xf: {  	[smem:$0x3FB3] =	sst s7  }
0x10: {  	[smem:$0x3FB4] =	sst s8  }
0x11: {  	[smem:$0x3FB5] =	sst s9;
	s0 =	simm.s32 @!p0 $0x0  }
0x12: {  	s1 =	sld [smem:$0x3F9B];
	s0 =	simm.s32 @p0 $0x1  }
0x13: {  	[smem:$0x3FB6] =	sst s0;
	s0 =	simm.s32 @!p1 $0x0  }
0x14: {  	s2 =	sld [smem:$0x3F9A];
	s0 =	simm.s32 @p1 $0x1  }
0x15: {  	[smem:$0x3FB7] =	sst s0;
	s0 =	simm.s32 @!p2 $0x0  }
0x16: {  	s3 =	sld [smem:$0x3FDB];
	s0 =	simm.s32 @p2 $0x1  }
0x17: {  	s4 =	simm.s32 $0x1BF5;
	[smem:$0x3FB9] =	sst s0  }
0x18: {  	s0 =	sld [smem:$0x3F9C];
	_ =	swait.ge [sflag:s4], $0x0  }
0x19: {  	s7 =	sld [smem:$0x3F9D]  }
0x1a: {  	s8 =	sadd.s32 $0xFFFFE003, lr  }
0x1b: {  	s9 =	sadd.s32 $0xFFFFFEF7, lr;
	s5 =	simm.s32 $0xFFFFFFFF;
	p2 =	slt.u32 s8, $0xFFFFF086  }
0x1c: {  	p1 =	slt.u32 s9, $0xF7A;
	s5 =	simm.s32 @!p2 $0x0  }
0x1d: {  	s5 =	simm.s32 @p1 $0x1;
	p0 =	seq.s32 s7, s2  }
0x1e: {  	s7 =	smul.u32 @!p0 $0xF7A, s2;
	p2 =	seq.s32 @!p0 s5, $0x0  }
0x1f: {  	s9 =	smul.u32 $0xF7A, s1;
	s8 =	simm.s32 @!p0 $0x1BF5;
	p2 =	por !p2, p0  }
0x20: {  	[sflag:s8] =	ssyncset.s32 @!p0 $0xFFFFF086;
	s6 =	sadd.s32 @!p0 s3, s7;
	s7 =	simm.s32 @!p0 $0x108  }
0x21: {  	s3 =	sadd.s32 s3, s9;
	s6 =	sadd.s32 @!p0 $0x88, s6;
	s7 =	simm.s32 @p2 $0x1082  }
0x22: {  	[simem:s7], [sflag:s8] =	dma.local @!p0 [hbm:s6], $0xF7A  }
0x23: {  	s9 =	sor.u32 $0xD0000000, s2;
	s6 =	simm.s32 $0x108;
	_ =	swait.ge @!p0 [sflag:s8], $0x0  }
0x24: {  	s3 =	sadd.s32 $0x88, s3;
	s6 =	simm.s32 @!p1 $0x1082;
	[sflag:s4] =	ssyncset.s32 $0xFFFFF086  }
0x25: {  	[simem:s6], [sflag:s4] =	dma.local [hbm:s3], $0xF7A  }
0x26: {  	[smem:$0x3F9D] =	sst s1;
	(tag) =	ssettag s2;
	_ =	strace s9  }
0x27: {  	s1 =	sld [smem:$0x3FAD]  }
0x28: {  	s2 =	sld [smem:$0x3FAE]  }
0x29: {  	s4 =	sld [smem:$0x3FB0]  }
0x2a: {  	p0 =	seq.s32 s5, $0x0;
	s5 =	sld [smem:$0x3FB1]  }
0x2b: {  	s6 =	sld [smem:$0x3FB2]  }
0x2c: {  	s7 =	sld [smem:$0x3FB3]  }
0x2d: {  	s3 =	simm.s32 $0x108;
	s8 =	sld [smem:$0x3FB4]  }
0x2e: {  	s3 =	simm.s32 @!p0 $0x1082;
	s9 =	sld [smem:$0x3FB5]  }
0x2f: {  	lr =	sadd.s32 s0, s3;
	s0 =	sld [smem:$0x3FAC]  }
0x30: {  	s3 =	sld [smem:$0x3FAF]  }
0x31: {  	[smem:$0x3FB8] =	sst s10  }
0x32: {  	s10 =	sld [smem:$0x3FB6];
	_ =	sdelay $0x3  }
0x33: {  	p0 =	seq.s32 s10, $0x1;
	s10 =	sld [smem:$0x3FB8];
	_ =	sdelay $0x3  }
0x34: {  	[smem:$0x3FB8] =	sst s10  }
0x35: {  	s10 =	sld [smem:$0x3FB7];
	_ =	sdelay $0x3  }
0x36: {  	p1 =	seq.s32 s10, $0x1;
	s10 =	sld [smem:$0x3FB8];
	_ =	sdelay $0x3  }
0x37: {  	[smem:$0x3FB8] =	sst s10  }
0x38: {  	s10 =	sld [smem:$0x3FB9]  }
0x39: {  	_ = 	snop;
	(pc) =	sbr.ind lr, $3  }
0x3a: {  	_ = 	snop  }
0x3b: {  	_ = 	snop  }
0x3c: {  	p2 =	seq.s32 s10, $0x1;
	s10 =	sld [smem:$0x3FB8]  }
0x3d: {  	_ =	shalt  }
0x3e: {  	_ =	shalt  }
0x3f: {  	_ =	shalt  }
0x40: {  	_ =	shalt  }
0x41: {  	_ =	shalt  }
0x42: {  	_ =	shalt  }
0x43: {  	_ =	shalt  }
0x44: {  	_ =	shalt  }
0x45: {  	_ =	shalt  }
0x46: {  	_ =	shalt  }
0x47: {  	_ =	shalt  }
0x48: {  	_ =	shalt  }
0x49: {  	_ =	shalt  }
0x4a: {  	_ =	shalt  }
0x4b: {  	_ =	shalt  }
0x4c: {  	_ =	shalt  }
0x4d: {  	_ =	shalt  }
0x4e: {  	_ =	shalt  }
0x4f: {  	_ =	shalt  }
0x50: {  	_ =	shalt  }
0x51: {  	_ =	shalt  }
0x52: {  	_ =	shalt  }
0x53: {  	_ =	shalt  }
0x54: {  	_ =	shalt  }
0x55: {  	_ =	shalt  }
0x56: {  	_ =	shalt  }
0x57: {  	_ =	shalt  }
0x58: {  	_ =	shalt  }
0x59: {  	_ =	shalt  }
0x5a: {  	_ =	shalt  }
0x5b: {  	_ =	shalt  }
0x5c: {  	_ =	shalt  }
0x5d: {  	_ =	shalt  }
0x5e: {  	_ =	shalt  }
0x5f: {  	_ =	shalt  }
0x60: {  	_ =	shalt  }
0x61: {  	_ =	shalt  }
0x62: {  	_ =	shalt  }
0x63: {  	_ =	shalt  }
0x64: {  	_ =	shalt  }
0x65: {  	_ =	shalt  }
0x66: {  	_ =	shalt  }
0x67: {  	_ =	shalt  }
0x68: {  	_ =	shalt  }
0x69: {  	_ =	shalt  }
0x6a: {  	_ =	shalt  }
0x6b: {  	_ =	shalt  }
0x6c: {  	_ =	shalt  }
0x6d: {  	_ =	shalt  }
0x6e: {  	_ =	shalt  }
0x6f: {  	_ =	shalt  }
0x70: {  	_ =	shalt  }
0x71: {  	_ =	shalt  }
0x72: {  	_ =	shalt  }
0x73: {  	_ =	shalt  }
0x74: {  	_ =	shalt  }
0x75: {  	_ =	shalt  }
0x76: {  	_ =	shalt  }
0x77: {  	_ =	shalt  }
0x78: {  	_ =	shalt  }
0x79: {  	_ =	shalt  }
0x7a: {  	_ =	shalt  }
0x7b: {  	_ =	shalt  }
0x7c: {  	_ =	shalt  }
0x7d: {  	_ =	shalt  }
0x7e: {  	_ =	shalt  }
0x7f: {  	_ =	shalt  }
0x80: {  	_ =	shalt  }
0x81: {  	_ =	shalt  }
0x82: {  	_ =	shalt  }
0x83: {  	_ =	shalt  }
0x84: {  	_ =	shalt  }
0x85: {  	_ =	shalt  }
0x86: {  	_ =	shalt  }
0x87: {  	_ =	shalt  }
.Lfunc_end0:
.L_simem_size_0:
called_computation_lowered:
.L_overlay_start_0:
0x88: {  	s2 =	sld [smem:$0x3FD9]  }
0x89: {  	s3 =	sld [smem:$0x3FFE];
	_ =	sdelay $0x1  }
0x8a: {  	s1 =	srdreg.scid  }
0x8b: {  	s0 =	sand.u32 $0x1, s1  }
0x8c: {  	s14 =	sshll.u32 s0, $0xA;
	s2 =	sadd.s32 s3, s2  }
0x8d: {  	s2 =	sadd.s32 s2, s14  }
0x8e: {  	[smem:$0x3FC4] =	sst s2  }
0x8f: {  	_ = 	snop  }
0x90: {  	s2 =	sld [smem:$0x3FD0];
	_ =	sdelay $0x2  }
0x91: {  	s4 =	simm.s32 $0xA;
	s5 =	simm.s32 $0x10;
	s15 =	sld [smem:$0x3FC6]  }
0x92: {  	[smem:s5], [sflag:s4] =	dma.local [hbm:s2], $0x1  }
0x93: {  	_ =	swait.eq [sflag:s4], $0x1  }
0x94: {  	[sflag:s4] =	ssyncset.done $0x0  }
0x95: {  	[sflag:s4] =	ssyncadd.s32 $0xFFFFFFFF  }
0x96: {  	s16 =	sld [smem:$0x10];
	(tm) =	ssettm $0x1  }
0x97: {  	s17 =	sld [smem:$0x3FFB];
	_ =	sdelay $0x3  }
0x98: {  	_ =	strace s17  }
0x99: {  	s4 =	sld [smem:$0x3FFC];
	_ =	sdelay $0x3  }
0x9a: {  	_ =	strace s4  }
0x9b: {  	s4 =	sld [smem:$0x3FFD];
	_ =	sdelay $0x3  }
0x9c: {  	_ =	strace s4  }
0x9d: {  	_ =	strace $0x8FFFFFFF  }
0x9e: {  	s18 =	sld [smem:$0x3FDB];
	_ =	sdelay $0x1  }
0x9f: {  	s19 =	simm.s32 $_scs_section_size  }
0xa0: {  	s6 =	simm.s32 $_size__tile_overlayer_lowered;
	s7 =	simm.s32 $_tile_overlayer_lowered  }
0xa1: {  	s22 =	simm.s32 $0x1BFF;
	s21 =	sshll.u32 s7, $0x1;
	s4 =	sadd.s32 s19, s18  }
0xa2: {  	s8 =	simm.s32 $0x0;
	s20 =	sshll.u32 s6, $0x1;
	s6 =	sadd.s32 s21, s4  }
0xa3: {  	[timem:s8], [sflag:s22] =	dma.local [hbm:s6], s20  }
0xa4: {  	_ =	swait.ge [sflag:s22], s20  }
0xa5: {  	s5 =	ssub.s32 $0x0, s20;
	[sflag:s22] =	ssyncset.done $0x0  }
0xa6: {  	[sflag:s22] =	ssyncadd.s32 s5;
	_ =	sdelay $0x1  }
0xa7: {  	s23 =	simm.s32 $0x1B8B  }
0xa8: {  	_ =	swait.ge [sflag:s23], $0x1  }
0xa9: {  	[sflag:s23] =	ssyncset.done $0x0  }
0xaa: {  	s25 =	simm.s32 $0x1B8E;
	s24 =	sld [smem:$0x3FFE];
	[sflag:s23] =	ssyncadd.s32 $0xFFFFFFFF  }
0xab: {  	s26 =	simm.s32 $execute0_lowered;
	[smem:$0x3FD2] =	sst s25  }
0xac: {  	s6 =	sshll.u32 s26, $0x1;
	_ =	strace $0x80000046;
	[dreg:$0x1] =	wrdreg $0xFFFFFFFF  }
0xad: {  	s28 =	simm.s32 $_size_execute0_lowered;
	s4 =	sadd.s32 s4, s6;
	[dreg:$0x0] =	wrdreg $0x0  }
0xae: {  	s6 =	sshll.u32 s28, $0x1;
	[dreg:$0x2] =	wrdreg s4  }
0xaf: {  	[dreg:$0x3] =	wrdreg s6  }
0xb0: {  	[dreg:$0x4] =	wrdreg $0xC0  }
0xb1: {  	_ =	task [dreg:s8], $0x5FFFF  }
0xb2: {  	[dreg:$0x1] =	wrdreg $0xFFFFFFFF  }
0xb3: {  	[dreg:$0x0] =	wrdreg $0x60  }
0xb4: {  	[dreg:$0x2] =	wrdreg s15  }
0xb5: {  	[dreg:$0x3] =	wrdreg s16  }
0xb6: {  	[dreg:$0x4] =	wrdreg s24  }
0xb7: {  	[dreg:$0x5] =	wrdreg $0x9  }
0xb8: {  	_ =	task.clear_ibuf [dreg:s8], $0x6FFFF;
	_ =	strace $0x90000046  }
0xb9: {  	s29 =	simm.s32 $0x9;
	_ =	strace $0x80000048  }
0xba: {  	_ =	swait.ge [sflag:s29], $0x1  }
0xbb: {  	[sflag:s29] =	ssyncadd.s32 $0xFFFFFFFF  }
0xbc: {  	_ =	strace $0x90000048  }
0xbd: {  	_ =	sfence  }
0xbe: {  	s30 =	sld [smem:$0x0];
	_ =	sdelay $0x2  }
0xbf: {  	s31 =	sshll.u32 s1, $0xD;
	s1 =	sshrl.u32 s1, $0x2  }
0xc0: {  	s3 =	sand.u32 $0x4000, s31;
	s1 =	sadd.s32 s1, s30  }
0xc1: {  	s0 =	sor.u32 s3, s0;
	s1 =	sshll.u32 s1, $0x11  }
0xc2: {  	s0 =	sor.u32 s1, s0  }
0xc3: {  	s0 =	sadd.s32 $0x8F2B, s0  }
0xc4: {  	[sflag:s0] =	ssyncadd.remote.s32 $0x1  }
0xc5: {  	_ =	sfence.sel $0xFFFF  }
0xc6: {  	[dreg:$0x0] =	wrdreg $0xFFFFFFFF;
	(pc) =	sbr.abs _section_cstart, $3  }
0xc7: {  	[dreg:$0x1] =	wrdreg $0xFFFFFFFF  }
0xc8: {  	_ =	task.clear_ibuf [dreg:s8], $0x2FFFF;
	_ =	strace $0x9FFFFFFF  }
0xc9: {  	(tm) =	ssettm $0x7FFFFFFF  }
tec
execute0_lowered:
.L_overlay_start_1:
0x0: {  	(tag) =	ssettag $0x1  }
0x1: {  	s2 =	rddreg [dreg:$0x0]  }
0x2: {  	s1 =	srdreg.scid;
	s3 =	rddreg [dreg:$0x1]  }
0x3: {  	s0 =	stileid.u32;
	s5 =	rddreg [dreg:$0x2]  }
0x4: {  	s9 =	simm.s32 $0x1;
	s10 =	simm.s32 $0x3;
	s1 =	sshll.u32 s1, $0xA  }
0x5: {  	s13 =	simm.s32 $0x0;
	s4 =	sshll.u32 s0, $0xB;
	s6 =	sand.u32 $0x400, s1  }
0x6: {  	s12 =	simm.s32 $0x0;
	s5 =	sadd.s32 $0x21200, s5;
	s4 =	sor.u32 s4, s6  }
0x7: {  	s1 =	rddreg [dreg:$0x3];
	_ =	strace $0x80000047;
	s8 =	ssub.s32 $0x10000, s4  }
.Ltmp0:
0x8: {  	s6 =	simm.s32 $0x1;
	s7 =	sand.u32 $0x7C00, s8;
	(pc) =	sbr.rel .LBB2_1-.Ltmp0, $4  }
0x9: {  	[sflag:s6] =	ssyncpa.u1 $0x0;
	s11 =	smov.u32 s4;
	p0 =	sne.s32 s7, $0x0  }
0xa: {  	s8 =	sshrl.u32 s8, $0xF;
	s7 =	simm.s32 $0x2;
	s9 =	simm.s32 @!p0 $0x0  }
0xb: {  	[sflag:s7] =	ssyncpa.u1 $0x0;
	p0 =	por $0x0, $0x0;
	s8 =	sadd.s32 s9, s8  }
0xc: {  	vm0 =	vmmov $0xffff;
	[sflag:s10] =	ssyncpa.u1 $0x0;
	s10 =	simm.s32 $0x0;
	s9 =	sadd.s32 $0x1, s8  }
.LBB2_4:
0xd: {  	v2 =	vnsel vm1, $0x0, v2  }
0xe: {  	vm1 =	vgt.s32 v0, $0x0;
	v2 =	vmin.u32 v2, $0x1869F  }
0xf: {  	v0 =	vnsel vm1, $0x0, v0  }
0x10: {  	v0 =	vmin.u32 v0, $0x1869F  }
0x11: {  	[tilespmem:s15], [sflag:$0x1] =	stream.indirect_vreg.gather [hbm4b:s2+s10], $0x1, v1, vm0, $0x4038;
	[tilespmem:$0x1000] =	vst v63  }
0x12: {  	(ifvalue) =	ssetifvalue $0x7FFFFFFF  }
0x13: {  	[tilespmem:s16], [sflag:$0x1] =	stream.indirect_vreg.gather [hbm4b:s2+s10], $0x1, v2, vm0, $0x4038;
	[tilespmem:$0x1000] =	vst v63  }
0x14: {  	s29 =	sadd.s32 $0x10, s16;
	(ifvalue) =	ssetifvalue $0x7FFFFFFF  }
0x15: {  	[tilespmem:s29], [sflag:$0x1] =	stream.indirect_vreg.gather [hbm4b:s2+s10], $0x1, v0, vm0, $0x4038;
	[tilespmem:$0x1000] =	vst v63  }
0x16: {  	_ =	swait.ge [sflag:s6], $0x400  }
0x17: {  	s30 =	sshrl.u32 s13, $0x3;
	[sflag:s6] =	ssyncset.done $0x0  }
0x18: {  	s31 =	sand.u32 $0x7, s13;
	s15 =	sadd.s32 s5, s30;
	[sflag:s6] =	ssyncadd.s32 $0xFFFFFC00  }
0x19: {  	[hbm4b:s15+s31] =	stream.linear.scatter [tilespmem:s14], [sflag:$0x3], $0x400, $0x38;
	[tilespmem:$0x1000] =	vst v63  }
.LBB2_5:
0x1a: {  	s15 =	sadd.s32 $0x8000, s11  }
0x1b: {  	p2 =	sgt.s32 s15, $0xFFFF  }
0x1c: {  	s15 =	smov.u32 @p2 s4;
	p2 =	sne.s32 s12, s9  }
.Ltmp1:
0x1d: {  	p1 =	slt.u32 s12, $0x2;
	(pc) =	sbr.rel @!p2 .LBB2_6-.Ltmp1, $4  }
0x1e: {  	s14 =	simm.s32 @!p1 $0x3  }
0x1f: {  	s16 =	sadd.s32 $0x1, s12;
	_ =	swait.ge @!p1 [sflag:s14], $0x400  }
0x20: {  	s13 =	smov.u32 s11;
	p0 =	por !p0, !p0;
	[sflag:s14] =	ssyncset.done @!p1 $0x0  }
0x21: {  	s12 =	smov.u32 s16;
	s11 =	smov.u32 s15;
	[sflag:s14] =	ssyncadd.s32 @!p1 $0xFFFFFC00  }
.LBB2_1:
0x22: {  	p1 =	sge.u32 s12, s8  }
0x23: {  	s14 =	sxor.u32 @!p1 $0xFFFFFFFF, s12  }
0x24: {  	s31 =	sadd.s32 $0xFFFFFFFF, s12;
	s15 =	sshrl.u32 @!p1 s11, $0x3;
	s14 =	sshll.u32 @!p1 s14, $0xA  }
0x25: {  	s16 =	sand.u32 @!p1 $0x7, s11;
	s15 =	sadd.s32 @!p1 s3, s15;
	s14 =	sand.u32 @!p1 $0x400, s14  }
0x26: {  	[tilespmem:s14], [sflag:$0x2] =	stream.linear.gather @!p1 [hbm4b:s15+s16], $0x400, $0x38;
	[tilespmem:$0x1000] =	vst v63  }
0x27: {  	p1 =	sge.u32 s31, s8  }
.Ltmp2:
0x28: {  	_ = 	snop;
	(pc) =	sbr.rel @p1 .LBB2_5-.Ltmp2, $1  }
0x29: {  	_ =	sdelay $0x3  }
0x2a: {  	s14 =	simm.s32 $0x1  }
0x2b: {  	_ =	swait.ge [sflag:s7], $0x400;
	s14 =	simm.s32 @!p0 $0x0  }
0x2c: {  	[sflag:s7] =	ssyncset.done $0x0;
	s14 =	sshll.u32 s14, $0xA  }
0x2d: {  	[sflag:s7] =	ssyncadd.s32 $0xFFFFFC00;
	(ifvalue) =	ssetifvalue $0x7FFFFFFF;
	v0 =	vld.msk [tilespmem:s14+$0x0 ss:$0x1], $0xffff;
	_ =	sdelay $0x4  }
0x2e: {  	s15 =	sadd.s32 $0x10, s14;
	vm1 =	vgt.s32 v0, $0x0  }
0x2f: {  	v2 =	vld.msk [tilespmem:s15+$0x0 ss:$0x1], $0xffff;
	v1 =	vnsel vm1, $0x0, v0  }
0x30: {  	v1 =	vmin.u32 v1, $0x1869F;
	_ =	sdelay $0x1  }
0x31: {  	s16 =	sshll.u32 s12, $0xA;
	s18 =	simm.s32 $0x20  }
0x32: {  	s16 =	sand.u32 $0x400, s16;
	s17 =	sadd.s32 $0x10, s15;
	s15 =	sor.u32 $0x800, s14  }
0x33: {  	s14 =	sor.u32 $0x800, s16;
	s16 =	sadd.s32 $0x10, s15;
	v0 =	vld.msk [tilespmem:s17+$0x0 ss:$0x1], $0xffff;
	vm1 =	vgt.s32 v2, $0x0;
	(ifvalue) =	ssetifvalue $0x7FFFFFFF  }
.LBB2_3:
0x34: {  	[tilespmem:s15], [sflag:$0x1] =	stream.indirect_vreg.gather [hbm4b:s2+s10], $0x1, v1, vm0, $0x4038;
	[tilespmem:$0x1000] =	vst v63  }
0x35: {  	s18 =	sadd.s32 $0x10, s18  }
0x36: {  	v2 =	vnsel vm1, $0x0, v2;
	p1 =	slt.u32 s18, $0x3F0  }
.Ltmp3:
0x37: {  	s15 =	smov.u32 s16;
	v1 =	vmin.u32 v2, $0x1869F;
	(pc) =	sbr.rel @p1 .LBB2_3-.Ltmp3, $3  }
0x38: {  	_ =	sdelay $0x1  }
0x39: {  	s17 =	sadd.s32 $0x10, s17  }
0x3a: {  	vm1 =	vgt.s32 v0, $0x0;
	s16 =	sadd.s32 $0x10, s16;
	v2 =	vmov v0;
	(ifvalue) =	ssetifvalue $0x7FFFFFFF;
	v0 =	vld.msk [tilespmem:s17+$0x0 ss:$0x1], $0xffff  }
.Ltmp4:
0x3b: {  	_ = 	snop;
	(pc) =	sbr.rel .LBB2_4-.Ltmp4, $1  }
0x3c: {  	_ =	sdelay $0x3  }
.LBB2_6:
0x3d: {  	_ =	sfence.sel $0x180000  }
0x3e: {  	s2 =	simm.s32 $0x2;
	[bflag:$0x0] =	sbarrier.arrive $0xFFFF  }
0x3f: {  	s30 =	simm.s32 $0x3;
	[sflag:s2] =	ssyncpa.u1 $0x1  }
0x40: {  	s31 =	simm.s32 $0x1;
	[sflag:s30] =	ssyncpa.u1 $0x1  }
0x41: {  	[sflag:s31] =	ssyncpa.u1 $0x1  }
0x42: {  	p0 =	sne.s32 s0, $0x0;
	_ =	strace $0x90000047  }
0x43: {  	s0 =	sadd.s32 @!p0 $0x100000, s1;
	[bflag:$0x2] =	sbarrier.arrive $0xFFFF  }
0x44: {  	[sflag:s0] =	ssyncadd.tile.s32 @!p0 $0x1;
	_ =	shalt  }
.Lfunc_end2:
_tile_overlayer_lowered:
.L_overlay_start_2:
0x45: {  	(tag) =	ssettag $0x2  }
0x46: {  	s0 =	rddreg [dreg:$0x0];
	s2 =	stileid.u32  }
0x47: {  	s1 =	rddreg [dreg:$0x1];
	p0 =	sne.s32 s2, $0x0  }
0x48: {  	s3 =	rddreg [dreg:$0x2];
	[bflag:$0x3] =	sbarrier.arrive $0xFFFF;
	s2 =	simm.s32 @!p0 $0x1C01  }
0x49: {  	[timem:s3], [sflag:s2] =	dma.local @!p0 [hbm:s0], s1  }
0x4a: {  	s0 =	simm.s32 @!p0 $0x1  }
0x4b: {  	_ =	swait.ge @!p0 [sflag:s0], s1  }
0x4c: {  	s1 =	ssub.s32 @!p0 $0x0, s1;
	[sflag:s0] =	ssyncset.done @!p0 $0x0  }
0x4d: {  	[sflag:s0] =	ssyncadd.s32 @!p0 s1  }
0x4e: {  	[bflag:$0x3] =	sbarrier.arrive $0xFFFF  }
0x4f: {  	_ =	shalt  }

</sc_bundles>
